<compile_context>
chip_gen: v7x
topology: tpu7x:2x2x1
jax: 0.10.2.dev20260603
libtpu: 0.0.44.dev20260713+nightly
codegen_flags: <defaults>
</compile_context>

<pallas_src>
import functools

import jax
import jax.numpy as jnp
from jax import lax
from jax.experimental import pallas as pl
from jax.experimental.pallas import tpu as pltpu
from jax.experimental.pallas import tpu_sc as plsc


def _matvec_body(t_ref, w_ref, o_ref):
    o_ref[...] = lax.dot_general(
        t_ref[...], w_ref[...],
        dimension_numbers=(((1,), (1,)), ((), ())),
        preferred_element_type=jnp.float32,
    )


def _table_dot_w(table, W):
    V, D = table.shape
    VB = 8000
    grid = V // VB
    return pl.pallas_call(
        _matvec_body,
        grid=(grid,),
        in_specs=[
            pl.BlockSpec((VB, D), lambda i: (i, 0)),
            pl.BlockSpec((1, D), lambda i: (0, 0)),
        ],
        out_specs=pl.BlockSpec((VB, 1), lambda i: (i, 0)),
        out_shape=jax.ShapeDtypeStruct((V, 1), jnp.float32),
    )(table, W)


def _make_sc_pool(VPK, L, B):
    info = plsc.get_sparse_core_info()
    NC, NS = info.num_cores, info.num_subcores
    NW = NC * NS
    NSHARD = 8
    SHW = VPK // NSHARD
    SHE = SHW * 2
    NG = NW // NSHARD
    GCOLS = B // NG
    CHUNK = 128
    NJB = GCOLS // CHUNK
    NVEC = CHUNK // 16
    NROW = 8

    mesh = plsc.VectorSubcoreMesh(core_axis_name="c", subcore_axis_name="s")

    @functools.partial(
        pl.kernel,
        mesh=mesh,
        out_type=jax.ShapeDtypeStruct((NSHARD, B), jnp.float32),
        compiler_params=pltpu.CompilerParams(needs_layout_passes=False),
        scratch_types=[
            pltpu.VMEM((SHW,), jnp.int32),
            pltpu.VMEM((L, CHUNK), jnp.int32),
            pltpu.VMEM((GCOLS,), jnp.float32),
        ],
    )
    def sc_pool(tp_hbm, x_hbm, out_hbm, shard_v, idx_v, out_v):
        cid = lax.axis_index("c")
        sid = lax.axis_index("s")
        wid = sid * NC + cid
        sh = wid % NSHARD
        grp = wid // NSHARD
        base = grp * GCOLS

        pltpu.sync_copy(tp_hbm.at[pl.ds(sh * SHW, SHW)], shard_v)

        sbase = jnp.broadcast_to((sh * SHE).astype(jnp.int32), (16,))
        she_u = jnp.full((16,), SHE, dtype=jnp.uint32)
        she1_u = jnp.full((16,), SHE - 1, dtype=jnp.uint32)
        one_u = jnp.full((16,), 1, dtype=jnp.uint32)
        s16_u = jnp.full((16,), 16, dtype=jnp.uint32)
        himask = jnp.full((16,), 0xFFFF0000, dtype=jnp.uint32)
        zero_u = jnp.zeros((16,), jnp.uint32)
        zero_f = jnp.zeros((16,), jnp.float32)

        def jb_body(jb, carry):
            pltpu.sync_copy(
                x_hbm.at[:, pl.ds(base + jb * CHUNK, CHUNK)], idx_v)

            def j2_body(j2, carry2):
                def l_body(g, acc):
                    for r in range(NROW):
                        l = g * NROW + r
                        v = idx_v[l, pl.ds(j2 * 16, 16)]
                        u = lax.bitcast_convert_type(v - sbase, jnp.uint32)
                        m = u < she_u
                        us = jnp.minimum(u, she1_u)
                        pi = lax.bitcast_convert_type(
                            lax.shift_right_logical(us, one_u), jnp.int32)
                        pair = plsc.load_gather(shard_v, [pi])
                        pu = lax.bitcast_convert_type(pair, jnp.uint32)
                        odd = (us & one_u) != zero_u
                        bits = jnp.where(odd, pu & himask,
                                         lax.shift_left(pu, s16_u))
                        val = lax.bitcast_convert_type(bits, jnp.float32)
                        acc = acc + jnp.where(m, val, zero_f)
                    return acc

                acc = lax.fori_loop(0, L // NROW, l_body, zero_f)
                out_v[pl.ds(jb * CHUNK + j2 * 16, 16)] = acc
                return carry2

            lax.fori_loop(0, NVEC, j2_body, 0)
            return carry

        lax.fori_loop(0, NJB, jb_body, 0)

        pltpu.sync_copy(out_v, out_hbm.at[sh, pl.ds(base, GCOLS)])

    return sc_pool


def _epilogue_body(p_ref, len_ref, b_ref, o_ref):
    z = jnp.sum(p_ref[...], axis=0) / len_ref[0] + b_ref[0]
    o_ref[...] = jax.nn.sigmoid(z)


def _epilogue(p, lengths, b):
    S, R, C = p.shape
    return pl.pallas_call(
        _epilogue_body,
        in_specs=[
            pl.BlockSpec((S, R, C), lambda: (0, 0, 0)),
            pl.BlockSpec(memory_space=pltpu.SMEM),
            pl.BlockSpec(memory_space=pltpu.SMEM),
        ],
        out_specs=pl.BlockSpec((R, C), lambda: (0, 0)),
        out_shape=jax.ShapeDtypeStruct((R, C), jnp.float32),
    )(p, lengths, b)


def kernel(x, lengths, table, W, b):
    L, B = x.shape
    V, D = table.shape
    x = x.astype(jnp.int32)

    tw = _table_dot_w(table, W).reshape(-1)
    VP = 1 << 20
    tw = jnp.pad(tw, (0, VP - V))
    twp = lax.bitcast_convert_type(
        tw.astype(jnp.bfloat16).reshape(-1, 2), jnp.int32)

    partial = _make_sc_pool(VP // 2, L, B)(twp, x)
    out = _epilogue(partial.reshape(8, 128, B // 128), lengths, b)
    return out.reshape(B, 1)

# --- scband reference (transcript-rebuilt; emitter-appended) ---
"""Pipeline reference for scband-baseline-31473520345478 (READ-ONLY COPY).

The authoritative reference and input builder live on the scoring server;
editing this copy changes nothing except your own understanding.
"""

import jax, jax.numpy as jnp
import numpy as np

VOCAB = 1000000
EMBED_DIM = 64
L = 200
B = 16384

def setup_inputs(seed: int = 0) -> dict:
    key = jax.random.key(seed)
    k_idx, k_tab, k_w, k_b = jax.random.split(key, 4)
    x = jax.random.randint(k_idx, (L, B), 0, VOCAB, dtype=jnp.int64 if jax.config.jax_enable_x64 else jnp.int32)
    lengths = jnp.full((1,), float(L), dtype=jnp.float32)
    table = jax.random.normal(k_tab, (VOCAB, EMBED_DIM), dtype=jnp.float32) * 0.02
    W = jax.random.normal(k_w, (1, EMBED_DIM), dtype=jnp.float32) * (1.0 / np.sqrt(EMBED_DIM))
    b = jnp.zeros((1,), dtype=jnp.float32)
    return {"x": x, "lengths": lengths, "table": table, "W": W, "b": b}

def reference(x, lengths, table, W, b):
    # embed_layer(x): gather rows -> [L, B, D]
    emb = jnp.take(table, x, axis=0)
    # sum(x) in torch iterates over dim 0 (sequence dim) -> [B, D], then / lengths[0]
    pooled = jnp.sum(emb, axis=0) / lengths[0]
    # fc1: Linear(embedding_dim, 1)
    logits = pooled @ W.T + b
    out = jax.nn.sigmoid(logits)
    return out

if __name__ == "__main__":
    import jax
    _d = setup_inputs()
    print(jax.jit(kernel)(*tuple(_d.values())))

</pallas_src>

<mosaic_0001>
#map = affine_map<(d0, d1) -> (0)>
#map1 = affine_map<(d0, d1) -> (0, 0)>
module attributes {stable_mosaic.version = 14 : i64} {
  func.func @sc_pool(%arg0: i32, %arg1: i32, %arg2: memref<524288xi32, #tpu.memory_space<hbm>>, %arg3: memref<200x16384xi32, #tpu.memory_space<hbm>>, %arg4: memref<8x16384xf32, #tpu.memory_space<hbm>>, %arg5: memref<65536xi32, #tpu.memory_space<vmem>>, %arg6: memref<200x128xi32, #tpu.memory_space<vmem>>, %arg7: memref<4096xf32, #tpu.memory_space<vmem>>) attributes {dimension_semantics = [#tpu.dimension_semantics<core_parallel>, #tpu.dimension_semantics<subcore_parallel>], iteration_bounds = array<i64: 2, 16>, scalar_prefetch = 0 : i64, scratch_operands = 3 : i64, tpu.core_type = #tpu.core_type<sc_vector_subcore>, window_params = [{transform_indices = #map}, {transform_indices = #map1}, {transform_indices = #map1}]} {
    %mul3A = arith.constant 2 : i32
    %mul3A_0 = arith.muli %arg1, %mul3A : i32
    %add3A = arith.addi %mul3A_0, %arg0 : i32
    %jit3A = arith.constant 8 : i32
    %eq3A = arith.constant 0 : i32
    %eq3A_1 = arith.cmpi eq, %jit3A, %eq3A : i32
    %jit3A_2 = arith.constant 1 : i32
    %select_n3A = arith.select %eq3A_1, %jit3A_2, %jit3A : i32
    %rem3A = arith.remsi %add3A, %select_n3A : i32
    %ne3A = arith.constant 0 : i32
    %ne3A_3 = arith.cmpi ne, %rem3A, %ne3A : i32
    %lt3A = arith.constant 0 : i32
    %lt3A_4 = arith.cmpi slt, %rem3A, %lt3A : i32
    %lt3A_5 = arith.constant 0 : i32
    %lt3A_6 = arith.cmpi slt, %select_n3A, %lt3A_5 : i32
    %ne3A_7 = arith.xori %lt3A_4, %lt3A_6 : i1
    %and3A = arith.andi %ne3A_7, %ne3A_3 : i1
    %add3A_8 = arith.addi %rem3A, %select_n3A : i32
    %select_n3A_9 = arith.select %and3A, %add3A_8, %rem3A : i32
    %jit3A_10 = arith.constant 8 : i32
    %div3A = arith.divsi %add3A, %jit3A_10 : i32
    %sign3A = arith.constant 0 : i32
    %sign3A_11 = arith.cmpi sgt, %add3A, %sign3A : i32
    %sign3A_12 = arith.extui %sign3A_11 : i1 to i32
    %sign3A_13 = arith.constant 0 : i32
    %sign3A_14 = arith.cmpi slt, %add3A, %sign3A_13 : i32
    %sign3A_15 = arith.extui %sign3A_14 : i1 to i32
    %sign3A_16 = arith.subi %sign3A_12, %sign3A_15 : i32
    %sign3A_17 = arith.constant 0 : i32
    %sign3A_18 = arith.cmpi sgt, %jit3A_10, %sign3A_17 : i32
    %sign3A_19 = arith.extui %sign3A_18 : i1 to i32
    %sign3A_20 = arith.constant 0 : i32
    %sign3A_21 = arith.cmpi slt, %jit3A_10, %sign3A_20 : i32
    %sign3A_22 = arith.extui %sign3A_21 : i1 to i32
    %sign3A_23 = arith.subi %sign3A_19, %sign3A_22 : i32
    %ne3A_24 = arith.cmpi ne, %sign3A_16, %sign3A_23 : i32
    %rem3A_25 = arith.remsi %add3A, %jit3A_10 : i32
    %ne3A_26 = arith.constant 0 : i32
    %ne3A_27 = arith.cmpi ne, %rem3A_25, %ne3A_26 : i32
    %and3A_28 = arith.andi %ne3A_24, %ne3A_27 : i1
    %sub3A = arith.constant 1 : i32
    %sub3A_29 = arith.subi %div3A, %sub3A : i32
    %select_n3A_30 = arith.select %and3A_28, %sub3A_29, %div3A : i32
    %mul3A_31 = arith.constant 4096 : i32
    %mul3A_32 = arith.muli %select_n3A_30, %mul3A_31 : i32
    %mul3A_33 = arith.constant 65536 : i32
    %mul3A_34 = arith.muli %select_n3A_9, %mul3A_33 : i32
    "tpu.region"() ({
      %run_scoped3A = tpu.sem_alloc : memref<!tpu.dma_semaphore, #tpu.memory_space<semaphore_mem>>
      %dma_start3A = tpu.memref_slice %arg2[%mul3A_34] : memref<524288xi32, #tpu.memory_space<hbm>> -> memref<65536xi32, #tpu.memory_space<hbm>>
      %dma_start3A_56 = tpu.memref_slice %arg2[%mul3A_34] : memref<524288xi32, #tpu.memory_space<hbm>> -> memref<65536xi32, #tpu.memory_space<hbm>>
      tpu.enqueue_dma source(%dma_start3A_56 : memref<65536xi32, #tpu.memory_space<hbm>>) target(%arg5 : memref<65536xi32, #tpu.memory_space<vmem>>) target_semaphore(%run_scoped3A : memref<!tpu.dma_semaphore, #tpu.memory_space<semaphore_mem>>)
      %dma_wait3A = tpu.memref_slice %arg2[%mul3A_34] : memref<524288xi32, #tpu.memory_space<hbm>> -> memref<65536xi32, #tpu.memory_space<hbm>>
      %dma_wait3A_57 = tpu.memref_slice %arg2[%mul3A_34] : memref<524288xi32, #tpu.memory_space<hbm>> -> memref<65536xi32, #tpu.memory_space<hbm>>
      tpu.wait_dma2 semaphore(%run_scoped3A : memref<!tpu.dma_semaphore, #tpu.memory_space<semaphore_mem>>) src(%dma_wait3A_57 : memref<65536xi32, #tpu.memory_space<hbm>>) dst(%arg5 : memref<65536xi32, #tpu.memory_space<vmem>>)
      tpu.yield
    }) : () -> ()
    %mul3A_35 = arith.constant 131072 : i32
    %mul3A_36 = arith.muli %select_n3A_9, %mul3A_35 : i32
    %broadcast_in_dim3A = vector.broadcast %mul3A_36 : i32 to vector<16xi32>
    %broadcast_in_dim3A_37 = arith.constant 131072 : i32
    %broadcast_in_dim3A_38 = vector.broadcast %broadcast_in_dim3A_37 : i32 to vector<16xi32>
    %broadcast_in_dim3A_39 = arith.constant 131071 : i32
    %broadcast_in_dim3A_40 = vector.broadcast %broadcast_in_dim3A_39 : i32 to vector<16xi32>
    %broadcast_in_dim3A_41 = arith.constant 1 : i32
    %broadcast_in_dim3A_42 = vector.broadcast %broadcast_in_dim3A_41 : i32 to vector<16xi32>
    %broadcast_in_dim3A_43 = arith.constant 16 : i32
    %broadcast_in_dim3A_44 = vector.broadcast %broadcast_in_dim3A_43 : i32 to vector<16xi32>
    %broadcast_in_dim3A_45 = arith.constant -65536 : i32
    %broadcast_in_dim3A_46 = vector.broadcast %broadcast_in_dim3A_45 : i32 to vector<16xi32>
    %broadcast_in_dim3A_47 = arith.constant 0 : i32
    %broadcast_in_dim3A_48 = vector.broadcast %broadcast_in_dim3A_47 : i32 to vector<16xi32>
    %broadcast_in_dim3A_49 = arith.constant 0.000000e+00 : f32
    %broadcast_in_dim3A_50 = vector.broadcast %broadcast_in_dim3A_49 : f32 to vector<16xf32>
    %scan3A = arith.constant 0 : i32
    %scan3A_51 = arith.constant 0 : i32
    %scan3A_52 = arith.constant 32 : i32
    %scan3A_53 = arith.addi %scan3A_51, %scan3A_52 : i32
    %scan3A_54 = arith.constant 1 : i32
    scf.for %scan3A_56 = %scan3A_51 to %scan3A_53 step %scan3A_54  : i32 {
      %mul3A_57 = arith.constant 128 : i32
      %mul3A_58 = arith.muli %scan3A_56, %mul3A_57 : i32
      %add3A_59 = arith.addi %mul3A_32, %mul3A_58 : i32
      "tpu.region"() ({
        %run_scoped3A = tpu.sem_alloc : memref<!tpu.dma_semaphore, #tpu.memory_space<semaphore_mem>>
        %dma_start3A = arith.constant 0 : i32
        %dma_start3A_66 = tpu.memref_slice %arg3[%dma_start3A, %add3A_59] : memref<200x16384xi32, #tpu.memory_space<hbm>> -> memref<200x128xi32, #tpu.memory_space<hbm>>
        %dma_start3A_67 = arith.constant 0 : i32
        %dma_start3A_68 = tpu.memref_slice %arg3[%dma_start3A_67, %add3A_59] : memref<200x16384xi32, #tpu.memory_space<hbm>> -> memref<200x128xi32, #tpu.memory_space<hbm>>
        tpu.enqueue_dma source(%dma_start3A_68 : memref<200x128xi32, #tpu.memory_space<hbm>>) target(%arg6 : memref<200x128xi32, #tpu.memory_space<vmem>>) target_semaphore(%run_scoped3A : memref<!tpu.dma_semaphore, #tpu.memory_space<semaphore_mem>>)
        %dma_wait3A = arith.constant 0 : i32
        %dma_wait3A_69 = tpu.memref_slice %arg3[%dma_wait3A, %add3A_59] : memref<200x16384xi32, #tpu.memory_space<hbm>> -> memref<200x128xi32, #tpu.memory_space<hbm>>
        %dma_wait3A_70 = arith.constant 0 : i32
        %dma_wait3A_71 = tpu.memref_slice %arg3[%dma_wait3A_70, %add3A_59] : memref<200x16384xi32, #tpu.memory_space<hbm>> -> memref<200x128xi32, #tpu.memory_space<hbm>>
        tpu.wait_dma2 semaphore(%run_scoped3A : memref<!tpu.dma_semaphore, #tpu.memory_space<semaphore_mem>>) src(%dma_wait3A_71 : memref<200x128xi32, #tpu.memory_space<hbm>>) dst(%arg6 : memref<200x128xi32, #tpu.memory_space<vmem>>)
        tpu.yield
      }) : () -> ()
      %scan3A_60 = arith.constant 0 : i32
      %scan3A_61 = arith.constant 0 : i32
      %scan3A_62 = arith.constant 8 : i32
      %scan3A_63 = arith.addi %scan3A_61, %scan3A_62 : i32
      %scan3A_64 = arith.constant 1 : i32
      scf.for %scan3A_66 = %scan3A_61 to %scan3A_63 step %scan3A_64  : i32 {
        %scan3A_67 = arith.constant 0 : i32
        %scan3A_68 = arith.constant 25 : i32
        %scan3A_69 = arith.addi %scan3A_67, %scan3A_68 : i32
        %scan3A_70 = arith.constant 1 : i32
        %scan3A_71 = scf.for %scan3A_79 = %scan3A_67 to %scan3A_69 step %scan3A_70 iter_args(%scan3A_80 = %broadcast_in_dim3A_50) -> (vector<16xf32>)  : i32 {
          %mul3A_81 = arith.constant 8 : i32
          %mul3A_82 = arith.muli %scan3A_79, %mul3A_81 : i32
          %add3A_83 = arith.constant 0 : i32
          %add3A_84 = arith.addi %mul3A_82, %add3A_83 : i32
          %mul3A_85 = arith.constant 16 : i32
          %mul3A_86 = arith.muli %scan3A_66, %mul3A_85 : i32
          %get3A = arith.index_cast %add3A_84 : i32 to index
          %get3A_87 = arith.index_cast %mul3A_86 : i32 to index
          %get3A_88 = tpu.vector_load %arg6[%get3A, %get3A_87] {strides = array<i32>} : memref<200x128xi32, #tpu.memory_space<vmem>>, vector<16xi32>,
          %sub3A_89 = arith.subi %get3A_88, %broadcast_in_dim3A : vector<16xi32>
          %bitcast_convert_type3A = tpu.bitcast %sub3A_89 : vector<16xi32> -> vector<16xi32>
          %lt3A_90 = arith.cmpi ult, %bitcast_convert_type3A, %broadcast_in_dim3A_38 : vector<16xi32>
          %min3A = arith.minui %bitcast_convert_type3A, %broadcast_in_dim3A_40 : vector<16xi32>
          %shift_right_logical3A = arith.shrui %min3A, %broadcast_in_dim3A_42 : vector<16xi32>
          %bitcast_convert_type3A_91 = tpu.bitcast %shift_right_logical3A : vector<16xi32> -> vector<16xi32>
          %gather3A = tpu.vector_load_idx %arg5[%bitcast_convert_type3A_91] : memref<65536xi32, #tpu.memory_space<vmem>>[vector<16xi32>], vector<16xi32>,
          %bitcast_convert_type3A_92 = tpu.bitcast %gather3A : vector<16xi32> -> vector<16xi32>
          %and3A_93 = arith.andi %min3A, %broadcast_in_dim3A_42 : vector<16xi32>
          %ne3A_94 = arith.cmpi ne, %and3A_93, %broadcast_in_dim3A_48 : vector<16xi32>
          %and3A_95 = arith.andi %bitcast_convert_type3A_92, %broadcast_in_dim3A_46 : vector<16xi32>
          %shift_left3A = arith.shli %bitcast_convert_type3A_92, %broadcast_in_dim3A_44 : vector<16xi32>
          %select_n3A_96 = arith.select %ne3A_94, %and3A_95, %shift_left3A : vector<16xi1>, vector<16xi32>
          %bitcast_convert_type3A_97 = tpu.bitcast %select_n3A_96 : vector<16xi32> -> vector<16xf32>
          %select_n3A_98 = arith.select %lt3A_90, %bitcast_convert_type3A_97, %broadcast_in_dim3A_50 : vector<16xi1>, vector<16xf32>
          %add3A_99 = arith.addf %scan3A_80, %select_n3A_98 : vector<16xf32>
          %mul3A_100 = arith.constant 8 : i32
          %mul3A_101 = arith.muli %scan3A_79, %mul3A_100 : i32
          %add3A_102 = arith.constant 1 : i32
          %add3A_103 = arith.addi %mul3A_101, %add3A_102 : i32
          %mul3A_104 = arith.constant 16 : i32
          %mul3A_105 = arith.muli %scan3A_66, %mul3A_104 : i32
          %get3A_106 = arith.index_cast %add3A_103 : i32 to index
          %get3A_107 = arith.index_cast %mul3A_105 : i32 to index
          %get3A_108 = tpu.vector_load %arg6[%get3A_106, %get3A_107] {strides = array<i32>} : memref<200x128xi32, #tpu.memory_space<vmem>>, vector<16xi32>,
          %sub3A_109 = arith.subi %get3A_108, %broadcast_in_dim3A : vector<16xi32>
          %bitcast_convert_type3A_110 = tpu.bitcast %sub3A_109 : vector<16xi32> -> vector<16xi32>
          %lt3A_111 = arith.cmpi ult, %bitcast_convert_type3A_110, %broadcast_in_dim3A_38 : vector<16xi32>
          %min3A_112 = arith.minui %bitcast_convert_type3A_110, %broadcast_in_dim3A_40 : vector<16xi32>
          %shift_right_logical3A_113 = arith.shrui %min3A_112, %broadcast_in_dim3A_42 : vector<16xi32>
          %bitcast_convert_type3A_114 = tpu.bitcast %shift_right_logical3A_113 : vector<16xi32> -> vector<16xi32>
          %gather3A_115 = tpu.vector_load_idx %arg5[%bitcast_convert_type3A_114] : memref<65536xi32, #tpu.memory_space<vmem>>[vector<16xi32>], vector<16xi32>,
          %bitcast_convert_type3A_116 = tpu.bitcast %gather3A_115 : vector<16xi32> -> vector<16xi32>
          %and3A_117 = arith.andi %min3A_112, %broadcast_in_dim3A_42 : vector<16xi32>
          %ne3A_118 = arith.cmpi ne, %and3A_117, %broadcast_in_dim3A_48 : vector<16xi32>
          %and3A_119 = arith.andi %bitcast_convert_type3A_116, %broadcast_in_dim3A_46 : vector<16xi32>
          %shift_left3A_120 = arith.shli %bitcast_convert_type3A_116, %broadcast_in_dim3A_44 : vector<16xi32>
          %select_n3A_121 = arith.select %ne3A_118, %and3A_119, %shift_left3A_120 : vector<16xi1>, vector<16xi32>
          %bitcast_convert_type3A_122 = tpu.bitcast %select_n3A_121 : vector<16xi32> -> vector<16xf32>
          %select_n3A_123 = arith.select %lt3A_111, %bitcast_convert_type3A_122, %broadcast_in_dim3A_50 : vector<16xi1>, vector<16xf32>
          %add3A_124 = arith.addf %add3A_99, %select_n3A_123 : vector<16xf32>
          %mul3A_125 = arith.constant 8 : i32
          %mul3A_126 = arith.muli %scan3A_79, %mul3A_125 : i32
          %add3A_127 = arith.constant 2 : i32
          %add3A_128 = arith.addi %mul3A_126, %add3A_127 : i32
          %mul3A_129 = arith.constant 16 : i32
          %mul3A_130 = arith.muli %scan3A_66, %mul3A_129 : i32
          %get3A_131 = arith.index_cast %add3A_128 : i32 to index
          %get3A_132 = arith.index_cast %mul3A_130 : i32 to index
          %get3A_133 = tpu.vector_load %arg6[%get3A_131, %get3A_132] {strides = array<i32>} : memref<200x128xi32, #tpu.memory_space<vmem>>, vector<16xi32>,
          %sub3A_134 = arith.subi %get3A_133, %broadcast_in_dim3A : vector<16xi32>
          %bitcast_convert_type3A_135 = tpu.bitcast %sub3A_134 : vector<16xi32> -> vector<16xi32>
          %lt3A_136 = arith.cmpi ult, %bitcast_convert_type3A_135, %broadcast_in_dim3A_38 : vector<16xi32>
          %min3A_137 = arith.minui %bitcast_convert_type3A_135, %broadcast_in_dim3A_40 : vector<16xi32>
          %shift_right_logical3A_138 = arith.shrui %min3A_137, %broadcast_in_dim3A_42 : vector<16xi32>
          %bitcast_convert_type3A_139 = tpu.bitcast %shift_right_logical3A_138 : vector<16xi32> -> vector<16xi32>
          %gather3A_140 = tpu.vector_load_idx %arg5[%bitcast_convert_type3A_139] : memref<65536xi32, #tpu.memory_space<vmem>>[vector<16xi32>], vector<16xi32>,
          %bitcast_convert_type3A_141 = tpu.bitcast %gather3A_140 : vector<16xi32> -> vector<16xi32>
          %and3A_142 = arith.andi %min3A_137, %broadcast_in_dim3A_42 : vector<16xi32>
          %ne3A_143 = arith.cmpi ne, %and3A_142, %broadcast_in_dim3A_48 : vector<16xi32>
          %and3A_144 = arith.andi %bitcast_convert_type3A_141, %broadcast_in_dim3A_46 : vector<16xi32>
          %shift_left3A_145 = arith.shli %bitcast_convert_type3A_141, %broadcast_in_dim3A_44 : vector<16xi32>
          %select_n3A_146 = arith.select %ne3A_143, %and3A_144, %shift_left3A_145 : vector<16xi1>, vector<16xi32>
          %bitcast_convert_type3A_147 = tpu.bitcast %select_n3A_146 : vector<16xi32> -> vector<16xf32>
          %select_n3A_148 = arith.select %lt3A_136, %bitcast_convert_type3A_147, %broadcast_in_dim3A_50 : vector<16xi1>, vector<16xf32>
          %add3A_149 = arith.addf %add3A_124, %select_n3A_148 : vector<16xf32>
          %mul3A_150 = arith.constant 8 : i32
          %mul3A_151 = arith.muli %scan3A_79, %mul3A_150 : i32
          %add3A_152 = arith.constant 3 : i32
          %add3A_153 = arith.addi %mul3A_151, %add3A_152 : i32
          %mul3A_154 = arith.constant 16 : i32
          %mul3A_155 = arith.muli %scan3A_66, %mul3A_154 : i32
          %get3A_156 = arith.index_cast %add3A_153 : i32 to index
          %get3A_157 = arith.index_cast %mul3A_155 : i32 to index
          %get3A_158 = tpu.vector_load %arg6[%get3A_156, %get3A_157] {strides = array<i32>} : memref<200x128xi32, #tpu.memory_space<vmem>>, vector<16xi32>,
          %sub3A_159 = arith.subi %get3A_158, %broadcast_in_dim3A : vector<16xi32>
          %bitcast_convert_type3A_160 = tpu.bitcast %sub3A_159 : vector<16xi32> -> vector<16xi32>
          %lt3A_161 = arith.cmpi ult, %bitcast_convert_type3A_160, %broadcast_in_dim3A_38 : vector<16xi32>
          %min3A_162 = arith.minui %bitcast_convert_type3A_160, %broadcast_in_dim3A_40 : vector<16xi32>
          %shift_right_logical3A_163 = arith.shrui %min3A_162, %broadcast_in_dim3A_42 : vector<16xi32>
          %bitcast_convert_type3A_164 = tpu.bitcast %shift_right_logical3A_163 : vector<16xi32> -> vector<16xi32>
          %gather3A_165 = tpu.vector_load_idx %arg5[%bitcast_convert_type3A_164] : memref<65536xi32, #tpu.memory_space<vmem>>[vector<16xi32>], vector<16xi32>,
          %bitcast_convert_type3A_166 = tpu.bitcast %gather3A_165 : vector<16xi32> -> vector<16xi32>
          %and3A_167 = arith.andi %min3A_162, %broadcast_in_dim3A_42 : vector<16xi32>
          %ne3A_168 = arith.cmpi ne, %and3A_167, %broadcast_in_dim3A_48 : vector<16xi32>
          %and3A_169 = arith.andi %bitcast_convert_type3A_166, %broadcast_in_dim3A_46 : vector<16xi32>
          %shift_left3A_170 = arith.shli %bitcast_convert_type3A_166, %broadcast_in_dim3A_44 : vector<16xi32>
          %select_n3A_171 = arith.select %ne3A_168, %and3A_169, %shift_left3A_170 : vector<16xi1>, vector<16xi32>
          %bitcast_convert_type3A_172 = tpu.bitcast %select_n3A_171 : vector<16xi32> -> vector<16xf32>
          %select_n3A_173 = arith.select %lt3A_161, %bitcast_convert_type3A_172, %broadcast_in_dim3A_50 : vector<16xi1>, vector<16xf32>
          %add3A_174 = arith.addf %add3A_149, %select_n3A_173 : vector<16xf32>
          %mul3A_175 = arith.constant 8 : i32
          %mul3A_176 = arith.muli %scan3A_79, %mul3A_175 : i32
          %add3A_177 = arith.constant 4 : i32
          %add3A_178 = arith.addi %mul3A_176, %add3A_177 : i32
          %mul3A_179 = arith.constant 16 : i32
          %mul3A_180 = arith.muli %scan3A_66, %mul3A_179 : i32
          %get3A_181 = arith.index_cast %add3A_178 : i32 to index
          %get3A_182 = arith.index_cast %mul3A_180 : i32 to index
          %get3A_183 = tpu.vector_load %arg6[%get3A_181, %get3A_182] {strides = array<i32>} : memref<200x128xi32, #tpu.memory_space<vmem>>, vector<16xi32>,
          %sub3A_184 = arith.subi %get3A_183, %broadcast_in_dim3A : vector<16xi32>
          %bitcast_convert_type3A_185 = tpu.bitcast %sub3A_184 : vector<16xi32> -> vector<16xi32>
          %lt3A_186 = arith.cmpi ult, %bitcast_convert_type3A_185, %broadcast_in_dim3A_38 : vector<16xi32>
          %min3A_187 = arith.minui %bitcast_convert_type3A_185, %broadcast_in_dim3A_40 : vector<16xi32>
          %shift_right_logical3A_188 = arith.shrui %min3A_187, %broadcast_in_dim3A_42 : vector<16xi32>
          %bitcast_convert_type3A_189 = tpu.bitcast %shift_right_logical3A_188 : vector<16xi32> -> vector<16xi32>
          %gather3A_190 = tpu.vector_load_idx %arg5[%bitcast_convert_type3A_189] : memref<65536xi32, #tpu.memory_space<vmem>>[vector<16xi32>], vector<16xi32>,
          %bitcast_convert_type3A_191 = tpu.bitcast %gather3A_190 : vector<16xi32> -> vector<16xi32>
          %and3A_192 = arith.andi %min3A_187, %broadcast_in_dim3A_42 : vector<16xi32>
          %ne3A_193 = arith.cmpi ne, %and3A_192, %broadcast_in_dim3A_48 : vector<16xi32>
          %and3A_194 = arith.andi %bitcast_convert_type3A_191, %broadcast_in_dim3A_46 : vector<16xi32>
          %shift_left3A_195 = arith.shli %bitcast_convert_type3A_191, %broadcast_in_dim3A_44 : vector<16xi32>
          %select_n3A_196 = arith.select %ne3A_193, %and3A_194, %shift_left3A_195 : vector<16xi1>, vector<16xi32>
          %bitcast_convert_type3A_197 = tpu.bitcast %select_n3A_196 : vector<16xi32> -> vector<16xf32>
          %select_n3A_198 = arith.select %lt3A_186, %bitcast_convert_type3A_197, %broadcast_in_dim3A_50 : vector<16xi1>, vector<16xf32>
          %add3A_199 = arith.addf %add3A_174, %select_n3A_198 : vector<16xf32>
          %mul3A_200 = arith.constant 8 : i32
          %mul3A_201 = arith.muli %scan3A_79, %mul3A_200 : i32
          %add3A_202 = arith.constant 5 : i32
          %add3A_203 = arith.addi %mul3A_201, %add3A_202 : i32
          %mul3A_204 = arith.constant 16 : i32
          %mul3A_205 = arith.muli %scan3A_66, %mul3A_204 : i32
          %get3A_206 = arith.index_cast %add3A_203 : i32 to index
          %get3A_207 = arith.index_cast %mul3A_205 : i32 to index
          %get3A_208 = tpu.vector_load %arg6[%get3A_206, %get3A_207] {strides = array<i32>} : memref<200x128xi32, #tpu.memory_space<vmem>>, vector<16xi32>,
          %sub3A_209 = arith.subi %get3A_208, %broadcast_in_dim3A : vector<16xi32>
          %bitcast_convert_type3A_210 = tpu.bitcast %sub3A_209 : vector<16xi32> -> vector<16xi32>
          %lt3A_211 = arith.cmpi ult, %bitcast_convert_type3A_210, %broadcast_in_dim3A_38 : vector<16xi32>
          %min3A_212 = arith.minui %bitcast_convert_type3A_210, %broadcast_in_dim3A_40 : vector<16xi32>
          %shift_right_logical3A_213 = arith.shrui %min3A_212, %broadcast_in_dim3A_42 : vector<16xi32>
          %bitcast_convert_type3A_214 = tpu.bitcast %shift_right_logical3A_213 : vector<16xi32> -> vector<16xi32>
          %gather3A_215 = tpu.vector_load_idx %arg5[%bitcast_convert_type3A_214] : memref<65536xi32, #tpu.memory_space<vmem>>[vector<16xi32>], vector<16xi32>,
          %bitcast_convert_type3A_216 = tpu.bitcast %gather3A_215 : vector<16xi32> -> vector<16xi32>
          %and3A_217 = arith.andi %min3A_212, %broadcast_in_dim3A_42 : vector<16xi32>
          %ne3A_218 = arith.cmpi ne, %and3A_217, %broadcast_in_dim3A_48 : vector<16xi32>
          %and3A_219 = arith.andi %bitcast_convert_type3A_216, %broadcast_in_dim3A_46 : vector<16xi32>
          %shift_left3A_220 = arith.shli %bitcast_convert_type3A_216, %broadcast_in_dim3A_44 : vector<16xi32>
          %select_n3A_221 = arith.select %ne3A_218, %and3A_219, %shift_left3A_220 : vector<16xi1>, vector<16xi32>
          %bitcast_convert_type3A_222 = tpu.bitcast %select_n3A_221 : vector<16xi32> -> vector<16xf32>
          %select_n3A_223 = arith.select %lt3A_211, %bitcast_convert_type3A_222, %broadcast_in_dim3A_50 : vector<16xi1>, vector<16xf32>
          %add3A_224 = arith.addf %add3A_199, %select_n3A_223 : vector<16xf32>
          %mul3A_225 = arith.constant 8 : i32
          %mul3A_226 = arith.muli %scan3A_79, %mul3A_225 : i32
          %add3A_227 = arith.constant 6 : i32
          %add3A_228 = arith.addi %mul3A_226, %add3A_227 : i32
          %mul3A_229 = arith.constant 16 : i32
          %mul3A_230 = arith.muli %scan3A_66, %mul3A_229 : i32
          %get3A_231 = arith.index_cast %add3A_228 : i32 to index
          %get3A_232 = arith.index_cast %mul3A_230 : i32 to index
          %get3A_233 = tpu.vector_load %arg6[%get3A_231, %get3A_232] {strides = array<i32>} : memref<200x128xi32, #tpu.memory_space<vmem>>, vector<16xi32>,
          %sub3A_234 = arith.subi %get3A_233, %broadcast_in_dim3A : vector<16xi32>
          %bitcast_convert_type3A_235 = tpu.bitcast %sub3A_234 : vector<16xi32> -> vector<16xi32>
          %lt3A_236 = arith.cmpi ult, %bitcast_convert_type3A_235, %broadcast_in_dim3A_38 : vector<16xi32>
          %min3A_237 = arith.minui %bitcast_convert_type3A_235, %broadcast_in_dim3A_40 : vector<16xi32>
          %shift_right_logical3A_238 = arith.shrui %min3A_237, %broadcast_in_dim3A_42 : vector<16xi32>
          %bitcast_convert_type3A_239 = tpu.bitcast %shift_right_logical3A_238 : vector<16xi32> -> vector<16xi32>
          %gather3A_240 = tpu.vector_load_idx %arg5[%bitcast_convert_type3A_239] : memref<65536xi32, #tpu.memory_space<vmem>>[vector<16xi32>], vector<16xi32>,
          %bitcast_convert_type3A_241 = tpu.bitcast %gather3A_240 : vector<16xi32> -> vector<16xi32>
          %and3A_242 = arith.andi %min3A_237, %broadcast_in_dim3A_42 : vector<16xi32>
          %ne3A_243 = arith.cmpi ne, %and3A_242, %broadcast_in_dim3A_48 : vector<16xi32>
          %and3A_244 = arith.andi %bitcast_convert_type3A_241, %broadcast_in_dim3A_46 : vector<16xi32>
          %shift_left3A_245 = arith.shli %bitcast_convert_type3A_241, %broadcast_in_dim3A_44 : vector<16xi32>
          %select_n3A_246 = arith.select %ne3A_243, %and3A_244, %shift_left3A_245 : vector<16xi1>, vector<16xi32>
          %bitcast_convert_type3A_247 = tpu.bitcast %select_n3A_246 : vector<16xi32> -> vector<16xf32>
          %select_n3A_248 = arith.select %lt3A_236, %bitcast_convert_type3A_247, %broadcast_in_dim3A_50 : vector<16xi1>, vector<16xf32>
          %add3A_249 = arith.addf %add3A_224, %select_n3A_248 : vector<16xf32>
          %mul3A_250 = arith.constant 8 : i32
          %mul3A_251 = arith.muli %scan3A_79, %mul3A_250 : i32
          %add3A_252 = arith.constant 7 : i32
          %add3A_253 = arith.addi %mul3A_251, %add3A_252 : i32
          %mul3A_254 = arith.constant 16 : i32
          %mul3A_255 = arith.muli %scan3A_66, %mul3A_254 : i32
          %get3A_256 = arith.index_cast %add3A_253 : i32 to index
          %get3A_257 = arith.index_cast %mul3A_255 : i32 to index
          %get3A_258 = tpu.vector_load %arg6[%get3A_256, %get3A_257] {strides = array<i32>} : memref<200x128xi32, #tpu.memory_space<vmem>>, vector<16xi32>,
          %sub3A_259 = arith.subi %get3A_258, %broadcast_in_dim3A : vector<16xi32>
          %bitcast_convert_type3A_260 = tpu.bitcast %sub3A_259 : vector<16xi32> -> vector<16xi32>
          %lt3A_261 = arith.cmpi ult, %bitcast_convert_type3A_260, %broadcast_in_dim3A_38 : vector<16xi32>
          %min3A_262 = arith.minui %bitcast_convert_type3A_260, %broadcast_in_dim3A_40 : vector<16xi32>
          %shift_right_logical3A_263 = arith.shrui %min3A_262, %broadcast_in_dim3A_42 : vector<16xi32>
          %bitcast_convert_type3A_264 = tpu.bitcast %shift_right_logical3A_263 : vector<16xi32> -> vector<16xi32>
          %gather3A_265 = tpu.vector_load_idx %arg5[%bitcast_convert_type3A_264] : memref<65536xi32, #tpu.memory_space<vmem>>[vector<16xi32>], vector<16xi32>,
          %bitcast_convert_type3A_266 = tpu.bitcast %gather3A_265 : vector<16xi32> -> vector<16xi32>
          %and3A_267 = arith.andi %min3A_262, %broadcast_in_dim3A_42 : vector<16xi32>
          %ne3A_268 = arith.cmpi ne, %and3A_267, %broadcast_in_dim3A_48 : vector<16xi32>
          %and3A_269 = arith.andi %bitcast_convert_type3A_266, %broadcast_in_dim3A_46 : vector<16xi32>
          %shift_left3A_270 = arith.shli %bitcast_convert_type3A_266, %broadcast_in_dim3A_44 : vector<16xi32>
          %select_n3A_271 = arith.select %ne3A_268, %and3A_269, %shift_left3A_270 : vector<16xi1>, vector<16xi32>
          %bitcast_convert_type3A_272 = tpu.bitcast %select_n3A_271 : vector<16xi32> -> vector<16xf32>
          %select_n3A_273 = arith.select %lt3A_261, %bitcast_convert_type3A_272, %broadcast_in_dim3A_50 : vector<16xi1>, vector<16xf32>
          %add3A_274 = arith.addf %add3A_249, %select_n3A_273 : vector<16xf32>
          scf.yield %add3A_274 : vector<16xf32>
        }
        %scan3A_72 = arith.constant 25 : i32
        %mul3A_73 = arith.constant 128 : i32
        %mul3A_74 = arith.muli %scan3A_56, %mul3A_73 : i32
        %mul3A_75 = arith.constant 16 : i32
        %mul3A_76 = arith.muli %scan3A_66, %mul3A_75 : i32
        %add3A_77 = arith.addi %mul3A_74, %mul3A_76 : i32
        %swap3A = arith.index_cast %add3A_77 : i32 to index
        %swap3A_78 = tpu.vector_load %arg7[%swap3A] {strides = array<i32>} : memref<4096xf32, #tpu.memory_space<vmem>>, vector<16xf32>,
        tpu.vector_store %arg7[%swap3A], %scan3A_71 {strides = array<i32>} : memref<4096xf32, #tpu.memory_space<vmem>>, vector<16xf32>,
      }
      %scan3A_65 = arith.constant 8 : i32
    }
    %scan3A_55 = arith.constant 32 : i32
    "tpu.region"() ({
      %run_scoped3A = tpu.sem_alloc : memref<!tpu.dma_semaphore, #tpu.memory_space<semaphore_mem>>
      %dma_start3A = tpu.memref_slice %arg4[%select_n3A_9, %mul3A_32] : memref<8x16384xf32, #tpu.memory_space<hbm>> -> memref<1x4096xf32, #tpu.memory_space<hbm>>
      %dma_start3A_56 = tpu.memref_squeeze %dma_start3A : memref<1x4096xf32, #tpu.memory_space<hbm>> -> memref<4096xf32, #tpu.memory_space<hbm>>
      %dma_start3A_57 = tpu.memref_slice %arg4[%select_n3A_9, %mul3A_32] : memref<8x16384xf32, #tpu.memory_space<hbm>> -> memref<1x4096xf32, #tpu.memory_space<hbm>>
      %dma_start3A_58 = tpu.memref_squeeze %dma_start3A_57 : memref<1x4096xf32, #tpu.memory_space<hbm>> -> memref<4096xf32, #tpu.memory_space<hbm>>
      tpu.enqueue_dma source(%arg7 : memref<4096xf32, #tpu.memory_space<vmem>>) target(%dma_start3A_58 : memref<4096xf32, #tpu.memory_space<hbm>>) target_semaphore(%run_scoped3A : memref<!tpu.dma_semaphore, #tpu.memory_space<semaphore_mem>>)
      %dma_wait3A = tpu.memref_slice %arg4[%select_n3A_9, %mul3A_32] : memref<8x16384xf32, #tpu.memory_space<hbm>> -> memref<1x4096xf32, #tpu.memory_space<hbm>>
      %dma_wait3A_59 = tpu.memref_squeeze %dma_wait3A : memref<1x4096xf32, #tpu.memory_space<hbm>> -> memref<4096xf32, #tpu.memory_space<hbm>>
      %dma_wait3A_60 = tpu.memref_slice %arg4[%select_n3A_9, %mul3A_32] : memref<8x16384xf32, #tpu.memory_space<hbm>> -> memref<1x4096xf32, #tpu.memory_space<hbm>>
      %dma_wait3A_61 = tpu.memref_squeeze %dma_wait3A_60 : memref<1x4096xf32, #tpu.memory_space<hbm>> -> memref<4096xf32, #tpu.memory_space<hbm>>
      tpu.wait_dma2 semaphore(%run_scoped3A : memref<!tpu.dma_semaphore, #tpu.memory_space<semaphore_mem>>) src(%arg7 : memref<4096xf32, #tpu.memory_space<vmem>>) dst(%dma_wait3A_61 : memref<4096xf32, #tpu.memory_space<hbm>>)
      tpu.yield
    }) : () -> ()
    return
  }
}

module attributes {stable_mosaic.version = 14 : i64} {
  func.func @_matvec_body(%arg0: i32, %arg1: memref<8000x64xf32, #tpu.memory_space<vmem>>, %arg2: memref<1x64xf32, #tpu.memory_space<vmem>>, %arg3: memref<8000x1xf32, #tpu.memory_space<vmem>>) attributes {dimension_semantics = [#tpu.dimension_semantics<arbitrary>], iteration_bounds = array<i64: 125>, scalar_prefetch = 0 : i64, scratch_operands = 0 : i64, tpu.core_type = #tpu.core_type<tc>, window_params = [{transform_indices = @transform_0, window_bounds = array<i64: 8000, 64>}, {pipeline_mode = #tpu.pipeline_mode<synchronous>, transform_indices = @transform_1, window_bounds = array<i64: 1, 64>}, {transform_indices = @transform_2, window_bounds = array<i64: 8000, 1>}]} {
    %get3A = arith.constant 0 : index
    %get3A_0 = arith.constant 0 : index
    %get3A_1 = vector.load %arg1[%get3A, %get3A_0] : memref<8000x64xf32, #tpu.memory_space<vmem>>, vector<8000x64xf32>
    %get3A_2 = arith.constant 0 : index
    %get3A_3 = arith.constant 0 : index
    %get3A_4 = vector.load %arg2[%get3A_2, %get3A_3] : memref<1x64xf32, #tpu.memory_space<vmem>>, vector<1x64xf32>
    %dot_general3A = arith.constant dense<0.000000e+00> : vector<8000x1xf32>
    %dot_general3A_5 = tpu.matmul %get3A_1, %get3A_4, %dot_general3A {dimension_numbers = #tpu.dot_dimension_numbers<[1], [1], [0], [0], [0, 0, 1, 0], [], []>, transpose_lhs_hint = false} : vector<8000x64xf32>, vector<1x64xf32>, vector<8000x1xf32> -> vector<8000x1xf32>
    %swap3A = arith.constant 0 : index
    %swap3A_6 = arith.constant 0 : index
    %swap3A_7 = vector.load %arg3[%swap3A, %swap3A_6] : memref<8000x1xf32, #tpu.memory_space<vmem>>, vector<8000x1xf32>
    tpu.vector_store %arg3[%swap3A, %swap3A_6], %dot_general3A_5 {strides = array<i32>} : memref<8000x1xf32, #tpu.memory_space<vmem>>, vector<8000x1xf32>,
    return
  }
  func.func @transform_0(%arg0: i32) -> (i32, i32) {
    %c0_i32 = arith.constant 0 : i32
    %c0_i32_0 = arith.constant 0 : i32
    return %arg0, %c0_i32 : i32, i32
  }
  func.func @transform_1(%arg0: i32) -> (i32, i32) {
    %c0_i32 = arith.constant 0 : i32
    %c0_i32_0 = arith.constant 0 : i32
    %c0_i32_1 = arith.constant 0 : i32
    return %c0_i32, %c0_i32_0 : i32, i32
  }
  func.func @transform_2(%arg0: i32) -> (i32, i32) {
    %c0_i32 = arith.constant 0 : i32
    %c0_i32_0 = arith.constant 0 : i32
    return %arg0, %c0_i32 : i32, i32
  }
}

module attributes {stable_mosaic.version = 14 : i64} {
  func.func @_epilogue_body(%arg0: memref<8x128x128xf32, #tpu.memory_space<vmem>>, %arg1: memref<1xf32, #tpu.memory_space<smem>>, %arg2: memref<1xf32, #tpu.memory_space<smem>>, %arg3: memref<128x128xf32, #tpu.memory_space<vmem>>) attributes {dimension_semantics = [], scalar_prefetch = 0 : i64, scratch_operands = 0 : i64, tpu.core_type = #tpu.core_type<tc>} {
    %get3A = arith.constant 0 : index
    %get3A_0 = arith.constant 0 : index
    %get3A_1 = arith.constant 0 : index
    %get3A_2 = vector.load %arg0[%get3A, %get3A_0, %get3A_1] : memref<8x128x128xf32, #tpu.memory_space<vmem>>, vector<8x128x128xf32>
    %reduce_sum3A = arith.constant dense<0.000000e+00> : vector<128x128xf32>
    %reduce_sum3A_3 = vector.multi_reduction <add>, %get3A_2, %reduce_sum3A [0] : vector<8x128x128xf32> to vector<128x128xf32>
    %get3A_4 = arith.constant 0 : index
    %get3A_5 = memref.load %arg1[%get3A_4] : memref<1xf32, #tpu.memory_space<smem>>
    %div3A = vector.broadcast %get3A_5 : f32 to vector<128x128xf32>
    %div3A_6 = arith.divf %reduce_sum3A_3, %div3A : vector<128x128xf32>
    %get3A_7 = arith.constant 0 : index
    %get3A_8 = memref.load %arg2[%get3A_7] : memref<1xf32, #tpu.memory_space<smem>>
    %add3A = vector.broadcast %get3A_8 : f32 to vector<128x128xf32>
    %add3A_9 = arith.addf %div3A_6, %add3A : vector<128x128xf32>
    %logistic3A = arith.negf %add3A_9 : vector<128x128xf32>
    %logistic3A_10 = math.exp %logistic3A : vector<128x128xf32>
    %logistic3A_11 = arith.constant 1.000000e+00 : f32
    %logistic3A_12 = vector.broadcast %logistic3A_11 : f32 to vector<128x128xf32>
    %logistic3A_13 = arith.addf %logistic3A_12, %logistic3A_10 : vector<128x128xf32>
    %logistic3A_14 = arith.divf %logistic3A_12, %logistic3A_13 : vector<128x128xf32>
    %swap3A = arith.constant 0 : index
    %swap3A_15 = arith.constant 0 : index
    %swap3A_16 = vector.load %arg3[%swap3A, %swap3A_15] : memref<128x128xf32, #tpu.memory_space<vmem>>, vector<128x128xf32>
    tpu.vector_store %arg3[%swap3A, %swap3A_15], %logistic3A_14 {strides = array<i32>} : memref<128x128xf32, #tpu.memory_space<vmem>>, vector<128x128xf32>,
    return
  }
}

</mosaic_0001>

<sc_bundles>
// kernel: kernel.5.cloned.1.call-start
scs
__scs_entry_jumppad:
0x0: {  	(pc) =	sbr.rel $0x88, $3  }
0x1: {  	(tag) =	ssettag $0x0;
	lr =	simm.s32 $0x1  }
0x2: {  	[smem:$0x3F9C] =	sst lr;
	_ =	strace $0xD0000000  }
0x3: {  	_ = 	snop  }
0x4: {  	_ = 	snop  }
0x5: {  	_ = 	snop  }
0x6: {  	_ = 	snop  }
0x7: {  	_ = 	snop  }
__scs_overlays_trampoline_lowered:
0x8: {  	[smem:$0x3FAB] =	sst s0  }
0x9: {  	[smem:$0x3FAC] =	sst s1  }
0xa: {  	[smem:$0x3FAD] =	sst s2  }
0xb: {  	[smem:$0x3FAE] =	sst s3  }
0xc: {  	[smem:$0x3FAF] =	sst s4  }
0xd: {  	[smem:$0x3FB0] =	sst s5  }
0xe: {  	[smem:$0x3FB1] =	sst s6  }
0xf: {  	[smem:$0x3FB2] =	sst s7  }
0x10: {  	[smem:$0x3FB3] =	sst s8  }
0x11: {  	[smem:$0x3FB4] =	sst s9;
	s0 =	simm.s32 @!p0 $0x0  }
0x12: {  	s1 =	sld [smem:$0x3F9A];
	s0 =	simm.s32 @p0 $0x1  }
0x13: {  	[smem:$0x3FB5] =	sst s0;
	s0 =	simm.s32 @!p1 $0x0  }
0x14: {  	s2 =	sld [smem:$0x3F99];
	s0 =	simm.s32 @p1 $0x1  }
0x15: {  	[smem:$0x3FB6] =	sst s0;
	s0 =	simm.s32 @!p2 $0x0  }
0x16: {  	s3 =	sld [smem:$0x3FDB];
	s0 =	simm.s32 @p2 $0x1  }
0x17: {  	s4 =	simm.s32 $0x1BF5;
	[smem:$0x3FB8] =	sst s0  }
0x18: {  	s0 =	sld [smem:$0x3F9B];
	_ =	swait.ge [sflag:s4], $0x0  }
0x19: {  	s7 =	sld [smem:$0x3F9C]  }
0x1a: {  	s8 =	sadd.s32 $0xFFFFE003, lr  }
0x1b: {  	s9 =	sadd.s32 $0xFFFFFEF7, lr;
	s5 =	simm.s32 $0xFFFFFFFF;
	p2 =	slt.u32 s8, $0xFFFFF086  }
0x1c: {  	p1 =	slt.u32 s9, $0xF7A;
	s5 =	simm.s32 @!p2 $0x0  }
0x1d: {  	s5 =	simm.s32 @p1 $0x1;
	p0 =	seq.s32 s7, s2  }
0x1e: {  	s7 =	smul.u32 @!p0 $0xF7A, s2;
	p2 =	seq.s32 @!p0 s5, $0x0  }
0x1f: {  	s9 =	smul.u32 $0xF7A, s1;
	s8 =	simm.s32 @!p0 $0x1BF5;
	p2 =	por !p2, p0  }
0x20: {  	[sflag:s8] =	ssyncset.s32 @!p0 $0xFFFFF086;
	s6 =	sadd.s32 @!p0 s3, s7;
	s7 =	simm.s32 @!p0 $0x108  }
0x21: {  	s3 =	sadd.s32 s3, s9;
	s6 =	sadd.s32 @!p0 $0x88, s6;
	s7 =	simm.s32 @p2 $0x1082  }
0x22: {  	[simem:s7], [sflag:s8] =	dma.local @!p0 [hbm:s6], $0xF7A  }
0x23: {  	s9 =	sor.u32 $0xD0000000, s2;
	s6 =	simm.s32 $0x108;
	_ =	swait.ge @!p0 [sflag:s8], $0x0  }
0x24: {  	s3 =	sadd.s32 $0x88, s3;
	s6 =	simm.s32 @!p1 $0x1082;
	[sflag:s4] =	ssyncset.s32 $0xFFFFF086  }
0x25: {  	[simem:s6], [sflag:s4] =	dma.local [hbm:s3], $0xF7A  }
0x26: {  	[smem:$0x3F9C] =	sst s1;
	(tag) =	ssettag s2;
	_ =	strace s9  }
0x27: {  	s1 =	sld [smem:$0x3FAC]  }
0x28: {  	s2 =	sld [smem:$0x3FAD]  }
0x29: {  	s4 =	sld [smem:$0x3FAF]  }
0x2a: {  	p0 =	seq.s32 s5, $0x0;
	s5 =	sld [smem:$0x3FB0]  }
0x2b: {  	s6 =	sld [smem:$0x3FB1]  }
0x2c: {  	s7 =	sld [smem:$0x3FB2]  }
0x2d: {  	s3 =	simm.s32 $0x108;
	s8 =	sld [smem:$0x3FB3]  }
0x2e: {  	s3 =	simm.s32 @!p0 $0x1082;
	s9 =	sld [smem:$0x3FB4]  }
0x2f: {  	lr =	sadd.s32 s0, s3;
	s0 =	sld [smem:$0x3FAB]  }
0x30: {  	s3 =	sld [smem:$0x3FAE]  }
0x31: {  	[smem:$0x3FB7] =	sst s10  }
0x32: {  	s10 =	sld [smem:$0x3FB5];
	_ =	sdelay $0x3  }
0x33: {  	p0 =	seq.s32 s10, $0x1;
	s10 =	sld [smem:$0x3FB7];
	_ =	sdelay $0x3  }
0x34: {  	[smem:$0x3FB7] =	sst s10  }
0x35: {  	s10 =	sld [smem:$0x3FB6];
	_ =	sdelay $0x3  }
0x36: {  	p1 =	seq.s32 s10, $0x1;
	s10 =	sld [smem:$0x3FB7];
	_ =	sdelay $0x3  }
0x37: {  	[smem:$0x3FB7] =	sst s10  }
0x38: {  	s10 =	sld [smem:$0x3FB8]  }
0x39: {  	_ = 	snop;
	(pc) =	sbr.ind lr, $3  }
0x3a: {  	_ = 	snop  }
0x3b: {  	_ = 	snop  }
0x3c: {  	p2 =	seq.s32 s10, $0x1;
	s10 =	sld [smem:$0x3FB7]  }
0x3d: {  	_ =	shalt  }
0x3e: {  	_ =	shalt  }
0x3f: {  	_ =	shalt  }
0x40: {  	_ =	shalt  }
0x41: {  	_ =	shalt  }
0x42: {  	_ =	shalt  }
0x43: {  	_ =	shalt  }
0x44: {  	_ =	shalt  }
0x45: {  	_ =	shalt  }
0x46: {  	_ =	shalt  }
0x47: {  	_ =	shalt  }
0x48: {  	_ =	shalt  }
0x49: {  	_ =	shalt  }
0x4a: {  	_ =	shalt  }
0x4b: {  	_ =	shalt  }
0x4c: {  	_ =	shalt  }
0x4d: {  	_ =	shalt  }
0x4e: {  	_ =	shalt  }
0x4f: {  	_ =	shalt  }
0x50: {  	_ =	shalt  }
0x51: {  	_ =	shalt  }
0x52: {  	_ =	shalt  }
0x53: {  	_ =	shalt  }
0x54: {  	_ =	shalt  }
0x55: {  	_ =	shalt  }
0x56: {  	_ =	shalt  }
0x57: {  	_ =	shalt  }
0x58: {  	_ =	shalt  }
0x59: {  	_ =	shalt  }
0x5a: {  	_ =	shalt  }
0x5b: {  	_ =	shalt  }
0x5c: {  	_ =	shalt  }
0x5d: {  	_ =	shalt  }
0x5e: {  	_ =	shalt  }
0x5f: {  	_ =	shalt  }
0x60: {  	_ =	shalt  }
0x61: {  	_ =	shalt  }
0x62: {  	_ =	shalt  }
0x63: {  	_ =	shalt  }
0x64: {  	_ =	shalt  }
0x65: {  	_ =	shalt  }
0x66: {  	_ =	shalt  }
0x67: {  	_ =	shalt  }
0x68: {  	_ =	shalt  }
0x69: {  	_ =	shalt  }
0x6a: {  	_ =	shalt  }
0x6b: {  	_ =	shalt  }
0x6c: {  	_ =	shalt  }
0x6d: {  	_ =	shalt  }
0x6e: {  	_ =	shalt  }
0x6f: {  	_ =	shalt  }
0x70: {  	_ =	shalt  }
0x71: {  	_ =	shalt  }
0x72: {  	_ =	shalt  }
0x73: {  	_ =	shalt  }
0x74: {  	_ =	shalt  }
0x75: {  	_ =	shalt  }
0x76: {  	_ =	shalt  }
0x77: {  	_ =	shalt  }
0x78: {  	_ =	shalt  }
0x79: {  	_ =	shalt  }
0x7a: {  	_ =	shalt  }
0x7b: {  	_ =	shalt  }
0x7c: {  	_ =	shalt  }
0x7d: {  	_ =	shalt  }
0x7e: {  	_ =	shalt  }
0x7f: {  	_ =	shalt  }
0x80: {  	_ =	shalt  }
0x81: {  	_ =	shalt  }
0x82: {  	_ =	shalt  }
0x83: {  	_ =	shalt  }
0x84: {  	_ =	shalt  }
0x85: {  	_ =	shalt  }
0x86: {  	_ =	shalt  }
0x87: {  	_ =	shalt  }
.Lfunc_end0:
.L_simem_size_0:
called_computation_lowered:
.L_overlay_start_0:
0x88: {  	s2 =	sld [smem:$0x3FD9]  }
0x89: {  	s3 =	sld [smem:$0x3FFE];
	_ =	sdelay $0x1  }
0x8a: {  	s1 =	srdreg.scid  }
0x8b: {  	s0 =	sand.u32 $0x1, s1  }
0x8c: {  	s17 =	sshll.u32 s0, $0xA;
	s2 =	sadd.s32 s3, s2  }
0x8d: {  	s2 =	sadd.s32 s2, s17  }
0x8e: {  	[smem:$0x3FC3] =	sst s2  }
0x8f: {  	_ = 	snop  }
0x90: {  	s2 =	sld [smem:$0x3FC9];
	(tm) =	ssettm $0x1  }
0x91: {  	s18 =	sld [smem:$0x3FFB];
	_ =	sdelay $0x3  }
0x92: {  	_ =	strace s18  }
0x93: {  	s3 =	sld [smem:$0x3FFC];
	_ =	sdelay $0x3  }
0x94: {  	_ =	strace s3  }
0x95: {  	s3 =	sld [smem:$0x3FFD];
	_ =	sdelay $0x3  }
0x96: {  	_ =	strace s3  }
0x97: {  	_ =	strace $0x8FFFFFFF  }
0x98: {  	s19 =	sld [smem:$0x3FDB];
	_ =	sdelay $0x1  }
0x99: {  	s4 =	simm.s32 $_scs_section_size  }
0x9a: {  	s5 =	simm.s32 $_size__tile_overlayer_lowered;
	s6 =	simm.s32 $_tile_overlayer_lowered  }
0x9b: {  	s22 =	simm.s32 $0x1BFF;
	s21 =	sshll.u32 s6, $0x1;
	s3 =	sadd.s32 s4, s19  }
0x9c: {  	s7 =	simm.s32 $0x0;
	s20 =	sshll.u32 s5, $0x1;
	s5 =	sadd.s32 s21, s3  }
0x9d: {  	[timem:s7], [sflag:s22] =	dma.local [hbm:s5], s20  }
0x9e: {  	_ =	swait.ge [sflag:s22], s20  }
0x9f: {  	s4 =	ssub.s32 $0x0, s20;
	[sflag:s22] =	ssyncset.done $0x0  }
0xa0: {  	[sflag:s22] =	ssyncadd.s32 s4;
	_ =	sdelay $0x1  }
0xa1: {  	s23 =	simm.s32 $0x1B8B  }
0xa2: {  	_ =	swait.ge [sflag:s23], $0x1  }
0xa3: {  	[sflag:s23] =	ssyncset.done $0x0  }
0xa4: {  	s25 =	simm.s32 $0x1B8E;
	s24 =	sld [smem:$0x3FFE];
	[sflag:s23] =	ssyncadd.s32 $0xFFFFFFFF  }
0xa5: {  	s26 =	simm.s32 $execute0_lowered;
	[smem:$0x3FD2] =	sst s25  }
0xa6: {  	s5 =	sshll.u32 s26, $0x1;
	_ =	strace $0x80000046;
	[dreg:$0x1] =	wrdreg $0xFFFFFFFF  }
0xa7: {  	s28 =	simm.s32 $_size_execute0_lowered;
	s3 =	sadd.s32 s3, s5;
	[dreg:$0x0] =	wrdreg $0x0  }
0xa8: {  	s5 =	sshll.u32 s28, $0x1;
	[dreg:$0x2] =	wrdreg s3  }
0xa9: {  	[dreg:$0x3] =	wrdreg s5  }
0xaa: {  	[dreg:$0x4] =	wrdreg $0xC0  }
0xab: {  	_ =	task [dreg:s7], $0x5FFFF  }
0xac: {  	[dreg:$0x1] =	wrdreg $0xFFFFFFFF  }
0xad: {  	[dreg:$0x0] =	wrdreg $0x60  }
0xae: {  	[dreg:$0x2] =	wrdreg s24  }
0xaf: {  	[dreg:$0x3] =	wrdreg s2  }
0xb0: {  	[dreg:$0x4] =	wrdreg $0x9  }
0xb1: {  	_ =	task.clear_ibuf [dreg:s7], $0x5FFFF;
	_ =	strace $0x90000046  }
0xb2: {  	s29 =	simm.s32 $0x9;
	_ =	strace $0x80000048  }
0xb3: {  	_ =	swait.ge [sflag:s29], $0x1  }
0xb4: {  	[sflag:s29] =	ssyncadd.s32 $0xFFFFFFFF  }
0xb5: {  	_ =	strace $0x90000048  }
0xb6: {  	_ =	sfence  }
0xb7: {  	s30 =	sld [smem:$0x0];
	_ =	sdelay $0x2  }
0xb8: {  	s31 =	sshll.u32 s1, $0xD;
	s1 =	sshrl.u32 s1, $0x2  }
0xb9: {  	s3 =	sand.u32 $0x4000, s31;
	s1 =	sadd.s32 s1, s30  }
0xba: {  	s0 =	sor.u32 s3, s0;
	s1 =	sshll.u32 s1, $0x11  }
0xbb: {  	s0 =	sor.u32 s1, s0  }
0xbc: {  	s0 =	sadd.s32 $0x8F2B, s0  }
0xbd: {  	[sflag:s0] =	ssyncadd.remote.s32 $0x1  }
0xbe: {  	_ =	sfence.sel $0xFFFF  }
0xbf: {  	[dreg:$0x0] =	wrdreg $0xFFFFFFFF;
	(pc) =	sbr.abs _section_cstart, $3  }
0xc0: {  	[dreg:$0x1] =	wrdreg $0xFFFFFFFF  }
0xc1: {  	_ =	task.clear_ibuf [dreg:s7], $0x2FFFF;
	_ =	strace $0x9FFFFFFF  }
0xc2: {  	(tm) =	ssettm $0x7FFFFFFF  }
0xc3: {  	_ =	shalt  }
tec
execute0_lowered:
.L_overlay_start_1:
0x0: {  	(tag) =	ssettag $0x1  }
0x1: {  	s3 =	rddreg [dreg:$0x0]  }
0x2: {  	s4 =	rddreg [dreg:$0x1]  }
0x3: {  	s0 =	rddreg [dreg:$0x2]  }
0x4: {  	s2 =	simm.s32 $0x0;
	s1 =	stileid.u32;
	s5 =	srdreg.scid  }
0x5: {  	s12 =	simm.s32 $0x16400;
	s13 =	simm.s32 $0x0;
	[smem:$0x7FF] =	sst s2  }
0x6: {  	s6 =	sshll.u32 s1, $0x1;
	s7 =	sshll.u32 s1, $0xA;
	s5 =	sand.u32 $0x1, s5  }
0x7: {  	_ =	strace $0x80000047;
	s6 =	sand.u32 $0x6, s6;
	s7 =	sand.u32 $0x3000, s7  }
0x8: {  	s8 =	ssub.s32 $0x2, s5;
	s5 =	sor.u32 s5, s6;
	s29 =	sadd.s32 s7, s3  }
0x9: {  	s9 =	sshrl.u32 s8, $0x1;
	s4 =	sadd.s32 s4, s7;
	s7 =	simm.s32 $0x1  }
0xa: {  	s10 =	sshll.u32 s5, $0xD;
	s8 =	ssub.s32 s8, s9;
	s30 =	sshll.u32 s5, $0x4  }
0xb: {  	s11 =	sshll.u32 s5, $0x11;
	s9 =	simm.s32 $0x20000;
	s3 =	sadd.s32 s3, s10  }
0xc: {  	s31 =	sadd.s32 s30, s29;
	s6 =	smax.u32 s8, $0x1;
	s8 =	simm.s32 $0x400  }
0xd: {  	s10 =	simm.s32 $0x10000;
	v0 =	vmov s11;
	s11 =	simm.s32 $0x80;
	s5 =	sadd.s32 $0x10000, s31  }
.LBB2_1:
0xe: {  	[tilespmem:s2], [sflag:$0x1] =	stream.linear.gather [hbm4b:s3+s2], $0x10000, $0x38;
	[tilespmem:$0x17400] =	vst v63  }
0xf: {  	_ =	swait.ge [sflag:s7], $0x10000  }
0x10: {  	[sflag:s7] =	ssyncset.done $0x0  }
0x11: {  	s14 =	simm.s32 $0x0;
	[sflag:s7] =	ssyncadd.s32 $0xFFFF0000  }
.LBB2_2:
0x12: {  	s15 =	sshll.u32 s14, $0x7  }
0x13: {  	s16 =	sadd.s32 s15, s4  }
0x14: {  	[tilespmem:s10], [sflag:$0x1] =	stream.strided.gather [hbm4b:s16+s8], $0x6400, s9, s8, $0x38;
	[tilespmem:$0x17400] =	vst v63  }
0x15: {  	s15 =	sand.u32 $0x3FFFFF80, s15;
	_ =	swait.ge [sflag:s7], $0x6400  }
0x16: {  	s17 =	sadd.s32 $0x16400, s15;
	[sflag:s7] =	ssyncset.done $0x0  }
0x17: {  	s15 =	simm.s32 $0x0;
	s16 =	simm.s32 $0x10200;
	v1 =	vmov s17;
	[sflag:s7] =	ssyncadd.s32 $0xFFFF9C00  }
.LBB2_3:
0x18: {  	v2 =	vmov s16;
	_ =	sdelay $0x3  }
0x19: {  	s17 =	simm.s32 $0x0  }
0x1a: {  	v3 =	vld.idx.msk [tilespmem:v2+s17+$0x180 ss:$0x1], $0xffff  }
0x1b: {  	v4 =	vld.idx.msk [tilespmem:v2+s17+$0x100 ss:$0x1], $0xffff  }
0x1c: {  	v5 =	vld.idx.msk [tilespmem:v2+s17+$0x80 ss:$0x1], $0xffff  }
0x1d: {  	v6 =	vld.idx.msk [tilespmem:v2+s17+$0x0 ss:$0x1], $0xffff  }
0x1e: {  	v7 =	vld.idx.msk [tilespmem:v2+s17+$0xFFFFFE00 ss:$0x1], $0xffff  }
0x1f: {  	v9 =	vld.idx.msk [tilespmem:v2+s17+$0xFFFFFE80 ss:$0x1], $0xffff  }
0x20: {  	v10 =	vld.idx.msk [tilespmem:v2+s17+$0xFFFFFF00 ss:$0x1], $0xffff  }
0x21: {  	v8 =	vld.idx.msk [tilespmem:v2+s17+$0xFFFFFF80 ss:$0x1], $0xffff;
	_ =	sdelay $0x1  }
0x22: {  	v11 =	vimm.f32 $0.0e+00;
	v7 =	vsub.s32 v7, v0;
	v3 =	vsub.s32 v3, v0  }
0x23: {  	v5 =	vsub.s32 v5, v0;
	v4 =	vsub.s32 v4, v0;
	v9 =	vsub.s32 v9, v0  }
0x24: {  	v6 =	vsub.s32 v6, v0;
	v10 =	vsub.s32 v10, v0;
	v12 =	vmin.u32 v7, $0x1FFFF  }
0x25: {  	v8 =	vsub.s32 v8, v0;
	v14 =	vmin.u32 v9, $0x1FFFF;
	v13 =	vshrl.u32 v12, $0x1  }
0x26: {  	vm1 =	vlt.u32 v5, $0x20000;
	vm0 =	vlt.u32 v4, $0x20000;
	v15 =	vshrl.u32 v14, $0x1  }
0x27: {  	v16 =	vmin.u32 v10, $0x1FFFF;
	vm3 =	vlt.u32 v8, $0x20000;
	vm2 =	vlt.u32 v6, $0x20000  }
0x28: {  	vm5 =	vlt.u32 v9, $0x20000;
	vm4 =	vlt.u32 v10, $0x20000;
	vm6 =	vlt.u32 v7, $0x20000  }
0x29: {  	v7 =	vmin.u32 v8, $0x1FFFF;
	v8 =	vmin.u32 v3, $0x1FFFF;
	v9 =	vshrl.u32 v16, $0x1  }
0x2a: {  	v17 =	vmin.u32 v5, $0x1FFFF;
	v18 =	vmin.u32 v4, $0x1FFFF;
	v6 =	vmin.u32 v6, $0x1FFFF;
	v10 =	vld.idx.msk [tilespmem:v13+s2+$0x0], $0xffff  }
0x2b: {  	v5 =	vand.u32 $0x1, v18;
	v4 =	vand.u32 $0x1, v8;
	v13 =	vshrl.u32 v7, $0x1;
	v15 =	vld.idx.msk [tilespmem:v15+s2+$0x0], $0xffff  }
0x2c: {  	v19 =	vshrl.u32 v6, $0x1;
	v20 =	vand.u32 $0x1, v6;
	v21 =	vand.u32 $0x1, v17  }
0x2d: {  	v6 =	vand.u32 $0x1, v16;
	v8 =	vshrl.u32 v8, $0x1;
	v12 =	vand.u32 $0x1, v12  }
0x2e: {  	v14 =	vand.u32 $0x1, v14;
	v16 =	vshrl.u32 v17, $0x1;
	vm7 =	veq.s32 v12, $0x0;
	v9 =	vld.idx.msk [tilespmem:v9+s2+$0x0], $0xffff  }
0x2f: {  	vm14 =	veq.s32 v14, $0x0;
	v12 =	vand.u32 $0xFFFF0000, v10;
	v10 =	vshll.u32 v10, $0x10  }
0x30: {  	vm15 =	veq.s32 v6, $0x0;
	v13 =	vld.idx.msk [tilespmem:v13+s2+$0x0], $0xffff;
	v14 =	vand.u32 $0xFFFF0000, v15;
	v10 =	vsel vm7, v10, v12  }
0x31: {  	v15 =	vshll.u32 v15, $0x10;
	v12 =	vshrl.u32 v18, $0x1;
	v10 =	vnsel vm6, $0x0, v10  }
0x32: {  	s18 =	simm.s32 $0x400;
	v7 =	vand.u32 $0x1, v7;
	v17 =	vld.idx.msk [tilespmem:v19+s2+$0x0], $0xffff;
	v10 =	vadd.f32 v10, v11;
	v11 =	vsel vm14, v15, v14  }
0x33: {  	v6 =	vld.idx.msk [tilespmem:v2+s18+$0x180 ss:$0x1], $0xffff;
	v14 =	vand.u32 $0xFFFF0000, v9;
	v9 =	vshll.u32 v9, $0x10;
	v11 =	vnsel vm5, $0x0, v11  }
0x34: {  	v15 =	vld.idx.msk [tilespmem:v16+s2+$0x0], $0xffff;
	v9 =	vsel vm15, v9, v14;
	vm5 =	veq.s32 v7, $0x0;
	v11 =	vadd.f32 v11, v10  }
0x35: {  	v7 =	vld.idx.msk [tilespmem:v2+s18+$0x100 ss:$0x1], $0xffff;
	v9 =	vnsel vm4, $0x0, v9;
	v14 =	vand.u32 $0xFFFF0000, v13;
	v13 =	vshll.u32 v13, $0x10  }
0x36: {  	vm4 =	veq.s32 v20, $0x0;
	v10 =	vld.idx.msk [tilespmem:v12+s2+$0x0], $0xffff;
	v9 =	vadd.f32 v9, v11;
	v11 =	vsel vm5, v13, v14  }
0x37: {  	v13 =	vand.u32 $0xFFFF0000, v17;
	v14 =	vshll.u32 v17, $0x10;
	v12 =	vnsel vm3, $0x0, v11;
	v11 =	vld.idx.msk [tilespmem:v8+s2+$0x0], $0xffff  }
0x38: {  	v8 =	vld.idx.msk [tilespmem:v2+s18+$0x80 ss:$0x1], $0xffff;
	v13 =	vsel vm4, v14, v13;
	vm3 =	veq.s32 v21, $0x0;
	v12 =	vadd.f32 v12, v9  }
0x39: {  	s17 =	simm.s32 $0x2000;
	v14 =	vand.u32 $0xFFFF0000, v15;
	v15 =	vshll.u32 v15, $0x10;
	v9 =	vld.idx.msk [tilespmem:v2+s18+$0x0 ss:$0x1], $0xffff;
	v13 =	vnsel vm2, $0x0, v13  }
.LBB2_4:
0x3a: {  	p0 =	sne.s32 s17, $0x18000;
	v16 =	vld.idx.msk [tilespmem:v2+s18+$0xFFFFFE00 ss:$0x1], $0xffff;
	v12 =	vadd.f32 v13, v12;
	v13 =	vsel vm3, v15, v14;
	vm2 =	veq.s32 v5, $0x0  }
0x3b: {  	v14 =	vand.u32 $0xFFFF0000, v10;
	v10 =	vshll.u32 v10, $0x10;
	v5 =	vld.idx.msk [tilespmem:v2+s18+$0xFFFFFF80 ss:$0x1], $0xffff;
	v13 =	vnsel vm1, $0x0, v13  }
0x3c: {  	v10 =	vsel vm2, v10, v14;
	vm1 =	veq.s32 v4, $0x0;
	v15 =	vld.idx.msk [tilespmem:v2+s18+$0xFFFFFE80 ss:$0x1], $0xffff;
	v12 =	vadd.f32 v13, v12  }
0x3d: {  	v10 =	vnsel vm0, $0x0, v10;
	v13 =	vand.u32 $0xFFFF0000, v11;
	v11 =	vshll.u32 v11, $0x10;
	v4 =	vld.idx.msk [tilespmem:v2+s18+$0xFFFFFF00 ss:$0x1], $0xffff  }
0x3e: {  	vm0 =	vlt.u32 v3, $0x20000;
	v3 =	vsel vm1, v11, v13;
	v10 =	vadd.f32 v10, v12  }
0x3f: {  	v11 =	vnsel vm0, $0x0, v3  }
0x40: {  	v3 =	vsub.s32 v6, v0;
	v12 =	vsub.s32 v16, v0;
	v6 =	vadd.f32 v11, v10  }
0x41: {  	v7 =	vsub.s32 v7, v0;
	v8 =	vsub.s32 v8, v0;
	v10 =	vmin.u32 v12, $0x1FFFF  }
0x42: {  	v9 =	vsub.s32 v9, v0;
	v11 =	vshrl.u32 v10, $0x1;
	v13 =	vsub.s32 v15, v0  }
0x43: {  	v5 =	vsub.s32 v5, v0;
	v14 =	vmin.u32 v13, $0x1FFFF;
	v4 =	vsub.s32 v4, v0  }
0x44: {  	vm1 =	vlt.u32 v8, $0x20000;
	vm0 =	vlt.u32 v7, $0x20000;
	v15 =	vshrl.u32 v14, $0x1  }
0x45: {  	vm2 =	vlt.u32 v9, $0x20000;
	vm3 =	vlt.u32 v5, $0x20000;
	v16 =	vmin.u32 v4, $0x1FFFF  }
0x46: {  	vm5 =	vlt.u32 v13, $0x20000;
	vm4 =	vlt.u32 v4, $0x20000;
	v13 =	vshrl.u32 v16, $0x1  }
0x47: {  	v17 =	vmin.u32 v3, $0x1FFFF;
	vm6 =	vlt.u32 v12, $0x20000;
	v12 =	vmin.u32 v5, $0x1FFFF;
	v11 =	vld.idx.msk [tilespmem:v11+s2+$0x0], $0xffff  }
0x48: {  	v8 =	vmin.u32 v8, $0x1FFFF;
	v7 =	vmin.u32 v7, $0x1FFFF;
	v18 =	vshrl.u32 v12, $0x1  }
0x49: {  	v9 =	vmin.u32 v9, $0x1FFFF;
	v5 =	vand.u32 $0x1, v7;
	v4 =	vand.u32 $0x1, v17;
	v15 =	vld.idx.msk [tilespmem:v15+s2+$0x0], $0xffff  }
0x4a: {  	v20 =	vand.u32 $0x1, v8;
	v19 =	vshrl.u32 v9, $0x1;
	v9 =	vand.u32 $0x1, v9  }
0x4b: {  	v12 =	vand.u32 $0x1, v12;
	v17 =	vshrl.u32 v17, $0x1;
	v16 =	vand.u32 $0x1, v16;
	v13 =	vld.idx.msk [tilespmem:v13+s2+$0x0], $0xffff  }
0x4c: {  	v8 =	vshrl.u32 v8, $0x1;
	v10 =	vand.u32 $0x1, v10;
	v14 =	vand.u32 $0x1, v14  }
0x4d: {  	vm7 =	veq.s32 v10, $0x0;
	v10 =	vand.u32 $0xFFFF0000, v11;
	v11 =	vshll.u32 v11, $0x10;
	v18 =	vld.idx.msk [tilespmem:v18+s2+$0x0], $0xffff  }
0x4e: {  	v7 =	vshrl.u32 v7, $0x1;
	v10 =	vsel vm7, v11, v10;
	vm7 =	veq.s32 v14, $0x0  }
0x4f: {  	v10 =	vnsel vm6, $0x0, v10;
	v11 =	vand.u32 $0xFFFF0000, v15;
	v14 =	vshll.u32 v15, $0x10;
	v15 =	vld.idx.msk [tilespmem:v19+s2+$0x0], $0xffff  }
0x50: {  	vm6 =	veq.s32 v16, $0x0;
	v10 =	vadd.f32 v10, v6;
	v6 =	vsel vm7, v14, v11  }
0x51: {  	s18 =	sshra.s32 s17, $0x2;
	v11 =	vnsel vm5, $0x0, v6;
	v14 =	vand.u32 $0xFFFF0000, v13;
	v13 =	vshll.u32 v13, $0x10;
	v16 =	vld.idx.msk [tilespmem:v8+s2+$0x0], $0xffff  }
0x52: {  	vm5 =	veq.s32 v12, $0x0;
	v8 =	vadd.f32 v11, v10;
	v10 =	vsel vm6, v13, v14;
	v6 =	vld.idx.msk [tilespmem:v2+s18+$0x180 ss:$0x1], $0xffff  }
.Ltmp0:
0x53: {  	v11 =	vnsel vm4, $0x0, v10;
	v12 =	vand.u32 $0xFFFF0000, v18;
	v13 =	vshll.u32 v18, $0x10;
	v10 =	vld.idx.msk [tilespmem:v7+s2+$0x0], $0xffff;
	(pc) =	sbr.rel @p0 .LBB2_4-.Ltmp0, $4  }
0x54: {  	vm4 =	veq.s32 v9, $0x0;
	v14 =	vadd.f32 v11, v8;
	v8 =	vsel vm5, v13, v12;
	v7 =	vld.idx.msk [tilespmem:v2+s18+$0x100 ss:$0x1], $0xffff  }
0x55: {  	v9 =	vnsel vm3, $0x0, v8;
	v13 =	vand.u32 $0xFFFF0000, v15;
	v15 =	vshll.u32 v15, $0x10;
	v11 =	vld.idx.msk [tilespmem:v17+s2+$0x0], $0xffff  }
0x56: {  	vm3 =	veq.s32 v20, $0x0;
	v12 =	vadd.f32 v9, v14;
	v13 =	vsel vm4, v15, v13;
	v8 =	vld.idx.msk [tilespmem:v2+s18+$0x80 ss:$0x1], $0xffff  }
0x57: {  	s17 =	sadd.s32 $0x1000, s17;
	v13 =	vnsel vm2, $0x0, v13;
	v14 =	vand.u32 $0xFFFF0000, v16;
	v15 =	vshll.u32 v16, $0x10;
	v9 =	vld.idx.msk [tilespmem:v2+s18+$0x0 ss:$0x1], $0xffff  }
0x58: {  	_ =	sdelay $0x1  }
0x59: {  	v12 =	vadd.f32 v13, v12  }
0x5a: {  	v35 =	vsel vm3, v15, v14;
	vm2 =	veq.s32 v5, $0x0;
	v37 =	vand.u32 $0xFFFF0000, v10  }
0x5b: {  	v36 =	vld.idx.msk [tilespmem:v2+s18+$0xFFFFFE00 ss:$0x1], $0xffff;
	v38 =	vshll.u32 v10, $0x10;
	vm11 =	veq.s32 v4, $0x0;
	vm12 =	vlt.u32 v3, $0x20000  }
0x5c: {  	v6 =	vsub.s32 v6, v0;
	v13 =	vnsel vm1, $0x0, v35;
	v10 =	vsel vm2, v38, v37  }
0x5d: {  	v40 =	vld.idx.msk [tilespmem:v2+s18+$0xFFFFFE80 ss:$0x1], $0xffff;
	v7 =	vsub.s32 v7, v0;
	v50 =	vmin.u32 v6, $0x1FFFF;
	v12 =	vadd.f32 v13, v12  }
0x5e: {  	v39 =	vld.idx.msk [tilespmem:v2+s18+$0xFFFFFF80 ss:$0x1], $0xffff;
	v10 =	vnsel vm0, $0x0, v10;
	v41 =	vand.u32 $0xFFFF0000, v11;
	v42 =	vshll.u32 v11, $0x10  }
0x5f: {  	v2 =	vld.idx.msk [tilespmem:v2+s18+$0xFFFFFF00 ss:$0x1], $0xffff;
	vm0 =	vlt.u32 v7, $0x20000;
	v7 =	vmin.u32 v7, $0x1FFFF;
	v17 =	vand.u32 $0x1, v50  }
0x60: {  	v3 =	vsel vm11, v42, v41;
	v8 =	vsub.s32 v8, v0;
	v5 =	vsub.s32 v36, v0  }
0x61: {  	v16 =	vand.u32 $0x1, v7;
	v7 =	vshrl.u32 v7, $0x1;
	v43 =	vmin.u32 v5, $0x1FFFF  }
0x62: {  	v10 =	vadd.f32 v10, v12;
	v4 =	vsub.s32 v40, v0;
	v44 =	vshrl.u32 v43, $0x1  }
0x63: {  	v3 =	vnsel vm12, $0x0, v3;
	v9 =	vsub.s32 v9, v0;
	v45 =	vmin.u32 v4, $0x1FFFF  }
0x64: {  	vm1 =	vlt.u32 v8, $0x20000;
	v2 =	vsub.s32 v2, v0;
	v47 =	vshrl.u32 v45, $0x1  }
0x65: {  	v8 =	vmin.u32 v8, $0x1FFFF;
	v46 =	vsub.s32 v39, v0;
	v48 =	vmin.u32 v2, $0x1FFFF  }
0x66: {  	vm14 =	vlt.u32 v9, $0x20000;
	vm4 =	vlt.u32 v2, $0x20000;
	v2 =	vshrl.u32 v48, $0x1  }
0x67: {  	v9 =	vmin.u32 v9, $0x1FFFF;
	v19 =	vand.u32 $0x1, v8;
	v49 =	vmin.u32 v46, $0x1FFFF;
	v11 =	vld.idx.msk [tilespmem:v44+s2+$0x0], $0xffff  }
0x68: {  	v8 =	vshrl.u32 v8, $0x1;
	v3 =	vadd.f32 v3, v10;
	v13 =	vshrl.u32 v49, $0x1  }
0x69: {  	vm13 =	vlt.u32 v46, $0x20000;
	vm5 =	vlt.u32 v4, $0x20000;
	vm6 =	vlt.u32 v5, $0x20000;
	v14 =	vld.idx.msk [tilespmem:v47+s2+$0x0], $0xffff  }
0x6a: {  	v18 =	vshrl.u32 v9, $0x1;
	v9 =	vand.u32 $0x1, v9;
	v5 =	vshrl.u32 v50, $0x1  }
0x6b: {  	v15 =	vand.u32 $0x1, v48;
	v10 =	vand.u32 $0x1, v43;
	v12 =	vand.u32 $0x1, v45;
	v2 =	vld.idx.msk [tilespmem:v2+s2+$0x0], $0xffff  }
0x6c: {  	vm7 =	veq.s32 v10, $0x0;
	v51 =	vand.u32 $0xFFFF0000, v11;
	v11 =	vshll.u32 v11, $0x10  }
0x6d: {  	v4 =	vand.u32 $0x1, v49;
	vm15 =	veq.s32 v12, $0x0;
	v13 =	vld.idx.msk [tilespmem:v13+s2+$0x0], $0xffff;
	v10 =	vsel vm7, v11, v51  }
0x6e: {  	v52 =	vand.u32 $0xFFFF0000, v14;
	v53 =	vshll.u32 v14, $0x10;
	v10 =	vnsel vm6, $0x0, v10  }
0x6f: {  	vm9 =	veq.s32 v15, $0x0;
	v54 =	vld.idx.msk [tilespmem:v18+s2+$0x0], $0xffff;
	v55 =	vsel vm15, v53, v52;
	v3 =	vadd.f32 v10, v3  }
0x70: {  	v56 =	vand.u32 $0xFFFF0000, v2;
	v2 =	vshll.u32 v2, $0x10;
	v10 =	vnsel vm5, $0x0, v55  }
0x71: {  	vm10 =	veq.s32 v4, $0x0;
	v8 =	vld.idx.msk [tilespmem:v8+s2+$0x0], $0xffff;
	v2 =	vsel vm9, v2, v56;
	v3 =	vadd.f32 v10, v3  }
0x72: {  	v7 =	vld.idx.msk [tilespmem:v7+s2+$0x0], $0xffff;
	v57 =	vand.u32 $0xFFFF0000, v13;
	v58 =	vshll.u32 v13, $0x10;
	v2 =	vnsel vm4, $0x0, v2  }
0x73: {  	vm11 =	veq.s32 v9, $0x0;
	v2 =	vadd.f32 v2, v3;
	v3 =	vsel vm10, v58, v57  }
0x74: {  	v5 =	vld.idx.msk [tilespmem:v5+s2+$0x0], $0xffff;
	v59 =	vand.u32 $0xFFFF0000, v54;
	v60 =	vshll.u32 v54, $0x10;
	v3 =	vnsel vm13, $0x0, v3  }
0x75: {  	vm12 =	veq.s32 v19, $0x0;
	v2 =	vadd.f32 v3, v2;
	v3 =	vsel vm11, v60, v59  }
0x76: {  	v61 =	vand.u32 $0xFFFF0000, v8;
	v8 =	vshll.u32 v8, $0x10;
	v3 =	vnsel vm14, $0x0, v3  }
0x77: {  	v62 =	vand.u32 $0xFFFF0000, v7;
	v2 =	vadd.f32 v3, v2;
	v3 =	vsel vm12, v8, v61  }
0x78: {  	v7 =	vshll.u32 v7, $0x10;
	vm13 =	veq.s32 v16, $0x0;
	v3 =	vnsel vm1, $0x0, v3  }
0x79: {  	s17 =	sshll.u32 s15, $0x4;
	s15 =	sadd.s32 $0x1, s15;
	v63 =	vand.u32 $0xFFFF0000, v5;
	v2 =	vadd.f32 v3, v2;
	v3 =	vsel vm13, v7, v62  }
0x7a: {  	p0 =	sne.s32 s15, $0x8;
	v5 =	vshll.u32 v5, $0x10;
	vm14 =	veq.s32 v17, $0x0;
	v3 =	vnsel vm0, $0x0, v3  }
.Ltmp1:
0x7b: {  	vm15 =	vlt.u32 v6, $0x20000;
	v2 =	vadd.f32 v3, v2;
	v3 =	vsel vm14, v5, v63;
	(pc) =	sbr.rel @p0 .LBB2_3-.Ltmp1, $4  }
0x7c: {  	v3 =	vnsel vm15, $0x0, v3  }
0x7d: {  	v2 =	vadd.f32 v3, v2  }
0x7e: {  	s17 =	sand.u32 $0x3FFFFFF0, s17  }
0x7f: {  	s16 =	sadd.s32 $0x10, s16;
	[tilespmem:v1+s17+$0x0 ss:$0x1] =	vst.idx.msk $0xffff, v2  }
0x80: {  	s14 =	sadd.s32 $0x1, s14  }
0x81: {  	p0 =	sne.s32 s14, $0x20  }
.Ltmp2:
0x82: {  	_ = 	snop;
	(pc) =	sbr.rel @p0 .LBB2_2-.Ltmp2, $1  }
0x83: {  	_ =	sdelay $0x3  }
0x84: {  	s13 =	sadd.s32 $0x1, s13  }
0x85: {  	p0 =	sne.s32 s13, s6  }
.Ltmp3:
0x86: {  	_ = 	snop;
	(pc) =	sbr.rel @p0 .LBB2_1-.Ltmp3, $4  }
0x87: {  	[hbm4b:s5+s11] =	stream.strided.scatter [tilespmem:s12], [sflag:$0x1], $0x1000, s8, s11, $0x38;
	[tilespmem:$0x17400] =	vst v63  }
0x88: {  	_ =	swait.ge [sflag:s7], $0x1000  }
0x89: {  	[sflag:s7] =	ssyncset.done $0x0  }
0x8a: {  	[sflag:s7] =	ssyncadd.s32 $0xFFFFF000  }
0x8b: {  	_ =	sfence.sel $0x180000  }
0x8c: {  	[bflag:$0x0] =	sbarrier.arrive $0xFFFF  }
0x8d: {  	p0 =	sne.s32 s1, $0x0;
	_ =	strace $0x90000047  }
0x8e: {  	s0 =	sadd.s32 @!p0 $0x100000, s0;
	[bflag:$0x2] =	sbarrier.arrive $0xFFFF  }
0x8f: {  	[sflag:s0] =	ssyncadd.tile.s32 @!p0 $0x1;
	_ =	shalt  }
.Lfunc_end2:
_tile_overlayer_lowered:
.L_overlay_start_2:
0x90: {  	(tag) =	ssettag $0x2  }
0x91: {  	s0 =	rddreg [dreg:$0x0];
	s2 =	stileid.u32  }
0x92: {  	s1 =	rddreg [dreg:$0x1];
	p0 =	sne.s32 s2, $0x0  }
0x93: {  	s3 =	rddreg [dreg:$0x2];
	[bflag:$0x3] =	sbarrier.arrive $0xFFFF;
	s2 =	simm.s32 @!p0 $0x1C01  }
0x94: {  	[timem:s3], [sflag:s2] =	dma.local @!p0 [hbm:s0], s1  }
0x95: {  	s0 =	simm.s32 @!p0 $0x1  }
0x96: {  	_ =	swait.ge @!p0 [sflag:s0], s1  }
0x97: {  	s1 =	ssub.s32 @!p0 $0x0, s1;
	[sflag:s0] =	ssyncset.done @!p0 $0x0  }
0x98: {  	[sflag:s0] =	ssyncadd.s32 @!p0 s1  }
0x99: {  	[bflag:$0x3] =	sbarrier.arrive $0xFFFF  }
0x9a: {  	_ =	shalt  }

</sc_bundles>
